<compile_context>
chip_gen: v7x
topology: tpu7x:2x2x1
jax: 0.10.2.dev20260603
libtpu: 0.0.44.dev20260713+nightly
codegen_flags: <defaults>
</compile_context>

<pallas_src>
import functools

import jax
import jax.numpy as jnp
from jax import lax
from jax.experimental import pallas as pl
from jax.experimental.pallas import tpu as pltpu
from jax.experimental.pallas import tpu_sc as plsc

HIDDEN = 1024
EXPERT_INTER = 1024
NUM_EXPERTS = 16
VOCAB = 100000
N_TOKENS = 128


def _route_body(tid_hbm, eid_hbm, tid_v, eid_v):
    c = lax.axis_index("c")
    s = lax.axis_index("s")

    @pl.when((c == 0) & (s == 0))
    def _():
        pltpu.sync_copy(tid_hbm, tid_v)
        for i in range(N_TOKENS // 16):
            t = tid_v[pl.ds(i * 16, 16)]
            t = jnp.clip(t, 0, VOCAB - 1)
            eid_v[pl.ds(i * 16, 16)] = jax.lax.rem(t, NUM_EXPERTS)
        pltpu.sync_copy(eid_v, eid_hbm)


def _route_sc(token_ids):
    mesh = plsc.VectorSubcoreMesh(core_axis_name="c", subcore_axis_name="s")
    fn = functools.partial(
        pl.kernel,
        mesh=mesh,
        out_type=jax.ShapeDtypeStruct((N_TOKENS,), jnp.int32),
        scratch_types=[
            pltpu.VMEM((N_TOKENS,), jnp.int32),
            pltpu.VMEM((N_TOKENS,), jnp.int32),
        ],
    )(_route_body)
    return fn(token_ids)


def _moe_body(eid_ref, x_ref, gatew_ref, upw_ref, dnw_ref, out_ref):
    e = pl.program_id(0)

    @pl.when(e == 0)
    def _init():
        out_ref[...] = jnp.zeros_like(out_ref)

    x = x_ref[...].astype(jnp.bfloat16)
    gate = jnp.dot(x, gatew_ref[0].astype(jnp.bfloat16),
                   preferred_element_type=jnp.float32)
    up = jnp.dot(x, upw_ref[0].astype(jnp.bfloat16),
                 preferred_element_type=jnp.float32)
    act = gate * jax.nn.sigmoid(gate) * up
    y = jnp.dot(act.astype(jnp.bfloat16), dnw_ref[0].astype(jnp.bfloat16),
                preferred_element_type=jnp.float32)

    mask = eid_ref[...] == e
    out_ref[...] += jnp.where(mask, y, 0.0)


def kernel(x, token_ids, gate_up_proj, down_proj):
    n = x.shape[0]
    eid = _route_sc(token_ids.astype(jnp.int32)).reshape(n, 1)
    return pl.pallas_call(
        _moe_body,
        grid=(NUM_EXPERTS,),
        in_specs=[
            pl.BlockSpec((n, 1), lambda e: (0, 0)),
            pl.BlockSpec((n, HIDDEN), lambda e: (0, 0)),
            pl.BlockSpec((1, HIDDEN, EXPERT_INTER), lambda e: (e, 0, 0)),
            pl.BlockSpec((1, HIDDEN, EXPERT_INTER), lambda e: (e, 0, 1)),
            pl.BlockSpec((1, EXPERT_INTER, HIDDEN), lambda e: (e, 0, 0)),
        ],
        out_specs=pl.BlockSpec((n, HIDDEN), lambda e: (0, 0)),
        out_shape=jax.ShapeDtypeStruct((n, HIDDEN), jnp.float32),
        compiler_params=pltpu.CompilerParams(
            dimension_semantics=("arbitrary",),
        ),
    )(eid, x, gate_up_proj, gate_up_proj, down_proj)

# --- scband reference (transcript-rebuilt; emitter-appended) ---
"""Pipeline reference for scband-token-routed-mlp-17506286698736 (READ-ONLY COPY).

The authoritative reference and input builder live on the scoring server;
editing this copy changes nothing except your own understanding.
"""

import jax, jax.numpy as jnp
import numpy as np

HIDDEN = 1024
INTERMEDIATE = 16384
NUM_EXPERTS = 16
VOCAB = 100000
EXPERT_INTER = INTERMEDIATE // NUM_EXPERTS  # 1024 (tp_size=1)
N_TOKENS = 128


def setup_inputs(seed: int = 0) -> dict:
    key = jax.random.key(seed)
    k_x, k_tid, k_gu, k_dn = jax.random.split(key, 4)
    x = jax.random.normal(k_x, (N_TOKENS, HIDDEN), dtype=jnp.float32)
    token_ids = jax.random.randint(k_tid, (N_TOKENS,), 0, VOCAB, dtype=jnp.int64) if jax.config.jax_enable_x64 else jax.random.randint(k_tid, (N_TOKENS,), 0, VOCAB).astype(jnp.int32)
    # kaiming_uniform_(a=sqrt(5)) -> bound = 1/sqrt(fan_in); fan_in = dim 1 of 3D tensor
    b_gu = 1.0 / np.sqrt(HIDDEN)
    gate_up_proj = jax.random.uniform(k_gu, (NUM_EXPERTS, HIDDEN, 2 * EXPERT_INTER), dtype=jnp.float32, minval=-b_gu, maxval=b_gu)
    b_dn = 1.0 / np.sqrt(EXPERT_INTER)
    down_proj = jax.random.uniform(k_dn, (NUM_EXPERTS, EXPERT_INTER, HIDDEN), dtype=jnp.float32, minval=-b_dn, maxval=b_dn)
    return {"x": x, "token_ids": token_ids, "gate_up_proj": gate_up_proj, "down_proj": down_proj}


def _silu(v):
    return v * jax.nn.sigmoid(v)


def reference(x, token_ids, gate_up_proj, down_proj):
    # route: expert_id = token_to_expert[clamp(token_id)] with token_to_expert = arange(vocab) % E
    token_to_expert = jnp.arange(VOCAB, dtype=token_ids.dtype) % NUM_EXPERTS
    tid = jnp.clip(token_ids, 0, VOCAB - 1)
    expert_ids = jnp.take(token_to_expert, tid, axis=0)
    # fused_token_routed_forward: per-token SwiGLU with its expert's weights.
    # Equivalent masked formulation (each expert computed on all tokens, masked combine).
    out = jnp.zeros((x.shape[0], HIDDEN), dtype=x.dtype)
    for e in range(NUM_EXPERTS):
        mask = (expert_ids == e).astype(x.dtype)[:, None]
        h = x @ gate_up_proj[e]  # [N, 2*inter]
        gate = h[:, :EXPERT_INTER]
        up = h[:, EXPERT_INTER:]
        y = (_silu(gate) * up) @ down_proj[e]  # [N, hidden]
        out = out + mask * y
    # all_reduce is identity at tp_size=1
    return out

if __name__ == "__main__":
    import jax
    _d = setup_inputs()
    print(jax.jit(kernel)(*tuple(_d.values())))

</pallas_src>

<mosaic_0001>
#map = affine_map<(d0, d1) -> (0)>
module attributes {stable_mosaic.version = 14 : i64} {
  func.func @_route_body(%arg0: i32, %arg1: i32, %arg2: memref<128xi32, #tpu.memory_space<hbm>>, %arg3: memref<128xi32, #tpu.memory_space<hbm>>, %arg4: memref<128xi32, #tpu.memory_space<vmem>>, %arg5: memref<128xi32, #tpu.memory_space<vmem>>) attributes {dimension_semantics = [#tpu.dimension_semantics<core_parallel>, #tpu.dimension_semantics<subcore_parallel>], iteration_bounds = array<i64: 2, 16>, scalar_prefetch = 0 : i64, scratch_operands = 2 : i64, tpu.core_type = #tpu.core_type<sc_vector_subcore>, window_params = [{transform_indices = #map}, {transform_indices = #map}]} {
    %eq3A = arith.constant 0 : i32
    %eq3A_0 = arith.cmpi eq, %arg0, %eq3A : i32
    %eq3A_1 = arith.constant 0 : i32
    %eq3A_2 = arith.cmpi eq, %arg1, %eq3A_1 : i32
    %and3A = arith.andi %eq3A_0, %eq3A_2 : i1
    %convert_element_type3A = arith.extui %and3A : i1 to i32
    %cond3A = arith.constant 0 : i32
    %cond3A_3 = arith.cmpi ne, %convert_element_type3A, %cond3A : i32
    scf.if %cond3A_3 {
      "tpu.region"() ({
        %run_scoped3A = tpu.sem_alloc : memref<!tpu.dma_semaphore, #tpu.memory_space<semaphore_mem>>
        tpu.enqueue_dma source(%arg2 : memref<128xi32, #tpu.memory_space<hbm>>) target(%arg4 : memref<128xi32, #tpu.memory_space<vmem>>) target_semaphore(%run_scoped3A : memref<!tpu.dma_semaphore, #tpu.memory_space<semaphore_mem>>)
        tpu.wait_dma2 semaphore(%run_scoped3A : memref<!tpu.dma_semaphore, #tpu.memory_space<semaphore_mem>>) src(%arg2 : memref<128xi32, #tpu.memory_space<hbm>>) dst(%arg4 : memref<128xi32, #tpu.memory_space<vmem>>)
        tpu.yield
      }) : () -> ()
      %get3A = arith.constant 0 : index
      %get3A_4 = tpu.vector_load %arg4[%get3A] {strides = array<i32>} : memref<128xi32, #tpu.memory_space<vmem>>, vector<16xi32>,
      %get3A_5 = vector.shape_cast %get3A_4 : vector<16xi32> to vector<16xi32>
      %jit3A = arith.constant 0 : i32
      %jit3A_6 = arith.constant 99999 : i32
      %max3A = vector.broadcast %jit3A : i32 to vector<16xi32>
      %max3A_7 = arith.maxsi %max3A, %get3A_5 : vector<16xi32>
      %min3A = vector.broadcast %jit3A_6 : i32 to vector<16xi32>
      %min3A_8 = arith.minsi %min3A, %max3A_7 : vector<16xi32>
      %rem3A = arith.constant 16 : i32
      %rem3A_9 = vector.broadcast %rem3A : i32 to vector<16xi32>
      %rem3A_10 = arith.remsi %min3A_8, %rem3A_9 : vector<16xi32>
      %swap3A = arith.constant 0 : index
      %swap3A_11 = tpu.vector_load %arg5[%swap3A] {strides = array<i32>} : memref<128xi32, #tpu.memory_space<vmem>>, vector<16xi32>,
      %swap3A_12 = vector.shape_cast %swap3A_11 : vector<16xi32> to vector<16xi32>
      %swap3A_13 = vector.shape_cast %rem3A_10 : vector<16xi32> to vector<16xi32>
      tpu.vector_store %arg5[%swap3A], %swap3A_13 {strides = array<i32>} : memref<128xi32, #tpu.memory_space<vmem>>, vector<16xi32>,
      %get3A_14 = arith.constant 16 : index
      %get3A_15 = tpu.vector_load %arg4[%get3A_14] {strides = array<i32>} : memref<128xi32, #tpu.memory_space<vmem>>, vector<16xi32>,
      %get3A_16 = vector.shape_cast %get3A_15 : vector<16xi32> to vector<16xi32>
      %jit3A_17 = arith.constant 0 : i32
      %jit3A_18 = arith.constant 99999 : i32
      %max3A_19 = vector.broadcast %jit3A_17 : i32 to vector<16xi32>
      %max3A_20 = arith.maxsi %max3A_19, %get3A_16 : vector<16xi32>
      %min3A_21 = vector.broadcast %jit3A_18 : i32 to vector<16xi32>
      %min3A_22 = arith.minsi %min3A_21, %max3A_20 : vector<16xi32>
      %rem3A_23 = arith.constant 16 : i32
      %rem3A_24 = vector.broadcast %rem3A_23 : i32 to vector<16xi32>
      %rem3A_25 = arith.remsi %min3A_22, %rem3A_24 : vector<16xi32>
      %swap3A_26 = arith.constant 16 : index
      %swap3A_27 = tpu.vector_load %arg5[%swap3A_26] {strides = array<i32>} : memref<128xi32, #tpu.memory_space<vmem>>, vector<16xi32>,
      %swap3A_28 = vector.shape_cast %swap3A_27 : vector<16xi32> to vector<16xi32>
      %swap3A_29 = vector.shape_cast %rem3A_25 : vector<16xi32> to vector<16xi32>
      tpu.vector_store %arg5[%swap3A_26], %swap3A_29 {strides = array<i32>} : memref<128xi32, #tpu.memory_space<vmem>>, vector<16xi32>,
      %get3A_30 = arith.constant 32 : index
      %get3A_31 = tpu.vector_load %arg4[%get3A_30] {strides = array<i32>} : memref<128xi32, #tpu.memory_space<vmem>>, vector<16xi32>,
      %get3A_32 = vector.shape_cast %get3A_31 : vector<16xi32> to vector<16xi32>
      %jit3A_33 = arith.constant 0 : i32
      %jit3A_34 = arith.constant 99999 : i32
      %max3A_35 = vector.broadcast %jit3A_33 : i32 to vector<16xi32>
      %max3A_36 = arith.maxsi %max3A_35, %get3A_32 : vector<16xi32>
      %min3A_37 = vector.broadcast %jit3A_34 : i32 to vector<16xi32>
      %min3A_38 = arith.minsi %min3A_37, %max3A_36 : vector<16xi32>
      %rem3A_39 = arith.constant 16 : i32
      %rem3A_40 = vector.broadcast %rem3A_39 : i32 to vector<16xi32>
      %rem3A_41 = arith.remsi %min3A_38, %rem3A_40 : vector<16xi32>
      %swap3A_42 = arith.constant 32 : index
      %swap3A_43 = tpu.vector_load %arg5[%swap3A_42] {strides = array<i32>} : memref<128xi32, #tpu.memory_space<vmem>>, vector<16xi32>,
      %swap3A_44 = vector.shape_cast %swap3A_43 : vector<16xi32> to vector<16xi32>
      %swap3A_45 = vector.shape_cast %rem3A_41 : vector<16xi32> to vector<16xi32>
      tpu.vector_store %arg5[%swap3A_42], %swap3A_45 {strides = array<i32>} : memref<128xi32, #tpu.memory_space<vmem>>, vector<16xi32>,
      %get3A_46 = arith.constant 48 : index
      %get3A_47 = tpu.vector_load %arg4[%get3A_46] {strides = array<i32>} : memref<128xi32, #tpu.memory_space<vmem>>, vector<16xi32>,
      %get3A_48 = vector.shape_cast %get3A_47 : vector<16xi32> to vector<16xi32>
      %jit3A_49 = arith.constant 0 : i32
      %jit3A_50 = arith.constant 99999 : i32
      %max3A_51 = vector.broadcast %jit3A_49 : i32 to vector<16xi32>
      %max3A_52 = arith.maxsi %max3A_51, %get3A_48 : vector<16xi32>
      %min3A_53 = vector.broadcast %jit3A_50 : i32 to vector<16xi32>
      %min3A_54 = arith.minsi %min3A_53, %max3A_52 : vector<16xi32>
      %rem3A_55 = arith.constant 16 : i32
      %rem3A_56 = vector.broadcast %rem3A_55 : i32 to vector<16xi32>
      %rem3A_57 = arith.remsi %min3A_54, %rem3A_56 : vector<16xi32>
      %swap3A_58 = arith.constant 48 : index
      %swap3A_59 = tpu.vector_load %arg5[%swap3A_58] {strides = array<i32>} : memref<128xi32, #tpu.memory_space<vmem>>, vector<16xi32>,
      %swap3A_60 = vector.shape_cast %swap3A_59 : vector<16xi32> to vector<16xi32>
      %swap3A_61 = vector.shape_cast %rem3A_57 : vector<16xi32> to vector<16xi32>
      tpu.vector_store %arg5[%swap3A_58], %swap3A_61 {strides = array<i32>} : memref<128xi32, #tpu.memory_space<vmem>>, vector<16xi32>,
      %get3A_62 = arith.constant 64 : index
      %get3A_63 = tpu.vector_load %arg4[%get3A_62] {strides = array<i32>} : memref<128xi32, #tpu.memory_space<vmem>>, vector<16xi32>,
      %get3A_64 = vector.shape_cast %get3A_63 : vector<16xi32> to vector<16xi32>
      %jit3A_65 = arith.constant 0 : i32
      %jit3A_66 = arith.constant 99999 : i32
      %max3A_67 = vector.broadcast %jit3A_65 : i32 to vector<16xi32>
      %max3A_68 = arith.maxsi %max3A_67, %get3A_64 : vector<16xi32>
      %min3A_69 = vector.broadcast %jit3A_66 : i32 to vector<16xi32>
      %min3A_70 = arith.minsi %min3A_69, %max3A_68 : vector<16xi32>
      %rem3A_71 = arith.constant 16 : i32
      %rem3A_72 = vector.broadcast %rem3A_71 : i32 to vector<16xi32>
      %rem3A_73 = arith.remsi %min3A_70, %rem3A_72 : vector<16xi32>
      %swap3A_74 = arith.constant 64 : index
      %swap3A_75 = tpu.vector_load %arg5[%swap3A_74] {strides = array<i32>} : memref<128xi32, #tpu.memory_space<vmem>>, vector<16xi32>,
      %swap3A_76 = vector.shape_cast %swap3A_75 : vector<16xi32> to vector<16xi32>
      %swap3A_77 = vector.shape_cast %rem3A_73 : vector<16xi32> to vector<16xi32>
      tpu.vector_store %arg5[%swap3A_74], %swap3A_77 {strides = array<i32>} : memref<128xi32, #tpu.memory_space<vmem>>, vector<16xi32>,
      %get3A_78 = arith.constant 80 : index
      %get3A_79 = tpu.vector_load %arg4[%get3A_78] {strides = array<i32>} : memref<128xi32, #tpu.memory_space<vmem>>, vector<16xi32>,
      %get3A_80 = vector.shape_cast %get3A_79 : vector<16xi32> to vector<16xi32>
      %jit3A_81 = arith.constant 0 : i32
      %jit3A_82 = arith.constant 99999 : i32
      %max3A_83 = vector.broadcast %jit3A_81 : i32 to vector<16xi32>
      %max3A_84 = arith.maxsi %max3A_83, %get3A_80 : vector<16xi32>
      %min3A_85 = vector.broadcast %jit3A_82 : i32 to vector<16xi32>
      %min3A_86 = arith.minsi %min3A_85, %max3A_84 : vector<16xi32>
      %rem3A_87 = arith.constant 16 : i32
      %rem3A_88 = vector.broadcast %rem3A_87 : i32 to vector<16xi32>
      %rem3A_89 = arith.remsi %min3A_86, %rem3A_88 : vector<16xi32>
      %swap3A_90 = arith.constant 80 : index
      %swap3A_91 = tpu.vector_load %arg5[%swap3A_90] {strides = array<i32>} : memref<128xi32, #tpu.memory_space<vmem>>, vector<16xi32>,
      %swap3A_92 = vector.shape_cast %swap3A_91 : vector<16xi32> to vector<16xi32>
      %swap3A_93 = vector.shape_cast %rem3A_89 : vector<16xi32> to vector<16xi32>
      tpu.vector_store %arg5[%swap3A_90], %swap3A_93 {strides = array<i32>} : memref<128xi32, #tpu.memory_space<vmem>>, vector<16xi32>,
      %get3A_94 = arith.constant 96 : index
      %get3A_95 = tpu.vector_load %arg4[%get3A_94] {strides = array<i32>} : memref<128xi32, #tpu.memory_space<vmem>>, vector<16xi32>,
      %get3A_96 = vector.shape_cast %get3A_95 : vector<16xi32> to vector<16xi32>
      %jit3A_97 = arith.constant 0 : i32
      %jit3A_98 = arith.constant 99999 : i32
      %max3A_99 = vector.broadcast %jit3A_97 : i32 to vector<16xi32>
      %max3A_100 = arith.maxsi %max3A_99, %get3A_96 : vector<16xi32>
      %min3A_101 = vector.broadcast %jit3A_98 : i32 to vector<16xi32>
      %min3A_102 = arith.minsi %min3A_101, %max3A_100 : vector<16xi32>
      %rem3A_103 = arith.constant 16 : i32
      %rem3A_104 = vector.broadcast %rem3A_103 : i32 to vector<16xi32>
      %rem3A_105 = arith.remsi %min3A_102, %rem3A_104 : vector<16xi32>
      %swap3A_106 = arith.constant 96 : index
      %swap3A_107 = tpu.vector_load %arg5[%swap3A_106] {strides = array<i32>} : memref<128xi32, #tpu.memory_space<vmem>>, vector<16xi32>,
      %swap3A_108 = vector.shape_cast %swap3A_107 : vector<16xi32> to vector<16xi32>
      %swap3A_109 = vector.shape_cast %rem3A_105 : vector<16xi32> to vector<16xi32>
      tpu.vector_store %arg5[%swap3A_106], %swap3A_109 {strides = array<i32>} : memref<128xi32, #tpu.memory_space<vmem>>, vector<16xi32>,
      %get3A_110 = arith.constant 112 : index
      %get3A_111 = tpu.vector_load %arg4[%get3A_110] {strides = array<i32>} : memref<128xi32, #tpu.memory_space<vmem>>, vector<16xi32>,
      %get3A_112 = vector.shape_cast %get3A_111 : vector<16xi32> to vector<16xi32>
      %jit3A_113 = arith.constant 0 : i32
      %jit3A_114 = arith.constant 99999 : i32
      %max3A_115 = vector.broadcast %jit3A_113 : i32 to vector<16xi32>
      %max3A_116 = arith.maxsi %max3A_115, %get3A_112 : vector<16xi32>
      %min3A_117 = vector.broadcast %jit3A_114 : i32 to vector<16xi32>
      %min3A_118 = arith.minsi %min3A_117, %max3A_116 : vector<16xi32>
      %rem3A_119 = arith.constant 16 : i32
      %rem3A_120 = vector.broadcast %rem3A_119 : i32 to vector<16xi32>
      %rem3A_121 = arith.remsi %min3A_118, %rem3A_120 : vector<16xi32>
      %swap3A_122 = arith.constant 112 : index
      %swap3A_123 = tpu.vector_load %arg5[%swap3A_122] {strides = array<i32>} : memref<128xi32, #tpu.memory_space<vmem>>, vector<16xi32>,
      %swap3A_124 = vector.shape_cast %swap3A_123 : vector<16xi32> to vector<16xi32>
      %swap3A_125 = vector.shape_cast %rem3A_121 : vector<16xi32> to vector<16xi32>
      tpu.vector_store %arg5[%swap3A_122], %swap3A_125 {strides = array<i32>} : memref<128xi32, #tpu.memory_space<vmem>>, vector<16xi32>,
      "tpu.region"() ({
        %run_scoped3A = tpu.sem_alloc : memref<!tpu.dma_semaphore, #tpu.memory_space<semaphore_mem>>
        tpu.enqueue_dma source(%arg5 : memref<128xi32, #tpu.memory_space<vmem>>) target(%arg3 : memref<128xi32, #tpu.memory_space<hbm>>) target_semaphore(%run_scoped3A : memref<!tpu.dma_semaphore, #tpu.memory_space<semaphore_mem>>)
        tpu.wait_dma2 semaphore(%run_scoped3A : memref<!tpu.dma_semaphore, #tpu.memory_space<semaphore_mem>>) src(%arg5 : memref<128xi32, #tpu.memory_space<vmem>>) dst(%arg3 : memref<128xi32, #tpu.memory_space<hbm>>)
        tpu.yield
      }) : () -> ()
    } else {
    }
    return
  }
}

module attributes {stable_mosaic.version = 14 : i64} {
  func.func @_moe_body(%arg0: i32, %arg1: memref<128x1xi32, #tpu.memory_space<vmem>>, %arg2: memref<128x1024xf32, #tpu.memory_space<vmem>>, %arg3: memref<1x1024x1024xf32, #tpu.memory_space<vmem>>, %arg4: memref<1x1024x1024xf32, #tpu.memory_space<vmem>>, %arg5: memref<1x1024x1024xf32, #tpu.memory_space<vmem>>, %arg6: memref<128x1024xf32, #tpu.memory_space<vmem>>) attributes {dimension_semantics = [#tpu.dimension_semantics<arbitrary>], iteration_bounds = array<i64: 16>, scalar_prefetch = 0 : i64, scratch_operands = 0 : i64, tpu.core_type = #tpu.core_type<tc>, window_params = [{pipeline_mode = #tpu.pipeline_mode<synchronous>, transform_indices = @transform_0, window_bounds = array<i64: 128, 1>}, {pipeline_mode = #tpu.pipeline_mode<synchronous>, transform_indices = @transform_1, window_bounds = array<i64: 128, 1024>}, {transform_indices = @transform_2, window_bounds = array<i64: 1, 1024, 1024>}, {transform_indices = @transform_3, window_bounds = array<i64: 1, 1024, 1024>}, {transform_indices = @transform_4, window_bounds = array<i64: 1, 1024, 1024>}, {pipeline_mode = #tpu.pipeline_mode<synchronous>, transform_indices = @transform_5, window_bounds = array<i64: 128, 1024>}]} {
    %eq3A = arith.constant 0 : i32
    %eq3A_0 = arith.cmpi eq, %arg0, %eq3A : i32
    %convert_element_type3A = arith.extui %eq3A_0 : i1 to i32
    %cond3A = arith.constant 0 : i32
    %cond3A_1 = arith.cmpi ne, %convert_element_type3A, %cond3A : i32
    scf.if %cond3A_1 {
      %broadcast_in_dim3A_47 = arith.constant 0.000000e+00 : f32
      %broadcast_in_dim3A_48 = vector.broadcast %broadcast_in_dim3A_47 : f32 to vector<128x1024xf32>
      %swap3A_49 = arith.constant 0 : index
      %swap3A_50 = arith.constant 0 : index
      %swap3A_51 = vector.load %arg6[%swap3A_49, %swap3A_50] : memref<128x1024xf32, #tpu.memory_space<vmem>>, vector<128x1024xf32>
      tpu.vector_store %arg6[%swap3A_49, %swap3A_50], %broadcast_in_dim3A_48 {strides = array<i32>} : memref<128x1024xf32, #tpu.memory_space<vmem>>, vector<128x1024xf32>,
    } else {
    }
    %get3A = arith.constant 0 : index
    %get3A_2 = arith.constant 0 : index
    %get3A_3 = vector.load %arg2[%get3A, %get3A_2] : memref<128x1024xf32, #tpu.memory_space<vmem>>, vector<128x1024xf32>
    %convert_element_type3A_4 = arith.truncf %get3A_3 : vector<128x1024xf32> to vector<128x1024xbf16>
    %get3A_5 = arith.constant 0 : index
    %get3A_6 = arith.constant 0 : index
    %get3A_7 = arith.constant 0 : index
    %get3A_8 = vector.load %arg3[%get3A_5, %get3A_6, %get3A_7] : memref<1x1024x1024xf32, #tpu.memory_space<vmem>>, vector<1x1024x1024xf32>
    %get3A_9 = vector.shape_cast %get3A_8 : vector<1x1024x1024xf32> to vector<1024x1024xf32>
    %convert_element_type3A_10 = arith.truncf %get3A_9 : vector<1024x1024xf32> to vector<1024x1024xbf16>
    %dot_general3A = arith.constant dense<0.000000e+00> : vector<128x1024xf32>
    %dot_general3A_11 = tpu.matmul %convert_element_type3A_4, %convert_element_type3A_10, %dot_general3A {dimension_numbers = #tpu.dot_dimension_numbers<[1], [0], [0], [1], [0, 0, 1, 1], [], []>, transpose_lhs_hint = false} : vector<128x1024xbf16>, vector<1024x1024xbf16>, vector<128x1024xf32> -> vector<128x1024xf32>
    %get3A_12 = arith.constant 0 : index
    %get3A_13 = arith.constant 0 : index
    %get3A_14 = arith.constant 0 : index
    %get3A_15 = vector.load %arg4[%get3A_12, %get3A_13, %get3A_14] : memref<1x1024x1024xf32, #tpu.memory_space<vmem>>, vector<1x1024x1024xf32>
    %get3A_16 = vector.shape_cast %get3A_15 : vector<1x1024x1024xf32> to vector<1024x1024xf32>
    %convert_element_type3A_17 = arith.truncf %get3A_16 : vector<1024x1024xf32> to vector<1024x1024xbf16>
    %dot_general3A_18 = arith.constant dense<0.000000e+00> : vector<128x1024xf32>
    %dot_general3A_19 = tpu.matmul %convert_element_type3A_4, %convert_element_type3A_17, %dot_general3A_18 {dimension_numbers = #tpu.dot_dimension_numbers<[1], [0], [0], [1], [0, 0, 1, 1], [], []>, transpose_lhs_hint = false} : vector<128x1024xbf16>, vector<1024x1024xbf16>, vector<128x1024xf32> -> vector<128x1024xf32>
    %logistic3A = arith.negf %dot_general3A_11 : vector<128x1024xf32>
    %logistic3A_20 = math.exp %logistic3A : vector<128x1024xf32>
    %logistic3A_21 = arith.constant 1.000000e+00 : f32
    %logistic3A_22 = vector.broadcast %logistic3A_21 : f32 to vector<128x1024xf32>
    %logistic3A_23 = arith.addf %logistic3A_22, %logistic3A_20 : vector<128x1024xf32>
    %logistic3A_24 = arith.divf %logistic3A_22, %logistic3A_23 : vector<128x1024xf32>
    %mul3A = arith.mulf %dot_general3A_11, %logistic3A_24 : vector<128x1024xf32>
    %mul3A_25 = arith.mulf %mul3A, %dot_general3A_19 : vector<128x1024xf32>
    %convert_element_type3A_26 = arith.truncf %mul3A_25 : vector<128x1024xf32> to vector<128x1024xbf16>
    %get3A_27 = arith.constant 0 : index
    %get3A_28 = arith.constant 0 : index
    %get3A_29 = arith.constant 0 : index
    %get3A_30 = vector.load %arg5[%get3A_27, %get3A_28, %get3A_29] : memref<1x1024x1024xf32, #tpu.memory_space<vmem>>, vector<1x1024x1024xf32>
    %get3A_31 = vector.shape_cast %get3A_30 : vector<1x1024x1024xf32> to vector<1024x1024xf32>
    %convert_element_type3A_32 = arith.truncf %get3A_31 : vector<1024x1024xf32> to vector<1024x1024xbf16>
    %dot_general3A_33 = arith.constant dense<0.000000e+00> : vector<128x1024xf32>
    %dot_general3A_34 = tpu.matmul %convert_element_type3A_26, %convert_element_type3A_32, %dot_general3A_33 {dimension_numbers = #tpu.dot_dimension_numbers<[1], [0], [0], [1], [0, 0, 1, 1], [], []>, transpose_lhs_hint = false} : vector<128x1024xbf16>, vector<1024x1024xbf16>, vector<128x1024xf32> -> vector<128x1024xf32>
    %get3A_35 = arith.constant 0 : index
    %get3A_36 = arith.constant 0 : index
    %get3A_37 = vector.load %arg1[%get3A_35, %get3A_36] : memref<128x1xi32, #tpu.memory_space<vmem>>, vector<128x1xi32>
    %eq3A_38 = vector.broadcast %arg0 : i32 to vector<128x1xi32>
    %eq3A_39 = arith.cmpi eq, %get3A_37, %eq3A_38 : vector<128x1xi32>
    %get3A_40 = arith.constant 0 : index
    %get3A_41 = arith.constant 0 : index
    %get3A_42 = vector.load %arg6[%get3A_40, %get3A_41] : memref<128x1024xf32, #tpu.memory_space<vmem>>, vector<128x1024xf32>
    %jit3A = arith.constant 0.000000e+00 : f32
    %broadcast_in_dim3A = vector.shape_cast %eq3A_39 : vector<128x1xi1> to vector<128x1xi1>
    %broadcast_in_dim3A_43 = vector.broadcast %broadcast_in_dim3A : vector<128x1xi1> to vector<128x1024xi1>
    %broadcast_in_dim3A_44 = vector.broadcast %jit3A : f32 to vector<128x1024xf32>
    %select_n3A = arith.select %broadcast_in_dim3A_43, %dot_general3A_34, %broadcast_in_dim3A_44 : vector<128x1024xi1>, vector<128x1024xf32>
    %add3A = arith.addf %get3A_42, %select_n3A : vector<128x1024xf32>
    %swap3A = arith.constant 0 : index
    %swap3A_45 = arith.constant 0 : index
    %swap3A_46 = vector.load %arg6[%swap3A, %swap3A_45] : memref<128x1024xf32, #tpu.memory_space<vmem>>, vector<128x1024xf32>
    tpu.vector_store %arg6[%swap3A, %swap3A_45], %add3A {strides = array<i32>} : memref<128x1024xf32, #tpu.memory_space<vmem>>, vector<128x1024xf32>,
    return
  }
  func.func @transform_0(%arg0: i32) -> (i32, i32) {
    %c0_i32 = arith.constant 0 : i32
    %c0_i32_0 = arith.constant 0 : i32
    %c0_i32_1 = arith.constant 0 : i32
    return %c0_i32, %c0_i32_0 : i32, i32
  }
  func.func @transform_1(%arg0: i32) -> (i32, i32) {
    %c0_i32 = arith.constant 0 : i32
    %c0_i32_0 = arith.constant 0 : i32
    %c0_i32_1 = arith.constant 0 : i32
    return %c0_i32, %c0_i32_0 : i32, i32
  }
  func.func @transform_2(%arg0: i32) -> (i32, i32, i32) {
    %c0_i32 = arith.constant 0 : i32
    %c0_i32_0 = arith.constant 0 : i32
    %c0_i32_1 = arith.constant 0 : i32
    return %arg0, %c0_i32, %c0_i32_0 : i32, i32, i32
  }
  func.func @transform_3(%arg0: i32) -> (i32, i32, i32) {
    %c0_i32 = arith.constant 0 : i32
    %c1_i32 = arith.constant 1 : i32
    %c0_i32_0 = arith.constant 0 : i32
    return %arg0, %c0_i32, %c1_i32 : i32, i32, i32
  }
  func.func @transform_4(%arg0: i32) -> (i32, i32, i32) {
    %c0_i32 = arith.constant 0 : i32
    %c0_i32_0 = arith.constant 0 : i32
    %c0_i32_1 = arith.constant 0 : i32
    return %arg0, %c0_i32, %c0_i32_0 : i32, i32, i32
  }
  func.func @transform_5(%arg0: i32) -> (i32, i32) {
    %c0_i32 = arith.constant 0 : i32
    %c0_i32_0 = arith.constant 0 : i32
    %c0_i32_1 = arith.constant 0 : i32
    return %c0_i32, %c0_i32_0 : i32, i32
  }
}

</mosaic_0001>

<sc_bundles>
// kernel: kernel.4.cloned.1.call-start
scs
__scs_entry_jumppad:
0x0: {  	(pc) =	sbr.rel $0x88, $3  }
0x1: {  	(tag) =	ssettag $0x0;
	lr =	simm.s32 $0x1  }
0x2: {  	[smem:$0x3F9D] =	sst lr;
	_ =	strace $0xD0000000  }
0x3: {  	_ = 	snop  }
0x4: {  	_ = 	snop  }
0x5: {  	_ = 	snop  }
0x6: {  	_ = 	snop  }
0x7: {  	_ = 	snop  }
__scs_overlays_trampoline_lowered:
0x8: {  	[smem:$0x3FAC] =	sst s0  }
0x9: {  	[smem:$0x3FAD] =	sst s1  }
0xa: {  	[smem:$0x3FAE] =	sst s2  }
0xb: {  	[smem:$0x3FAF] =	sst s3  }
0xc: {  	[smem:$0x3FB0] =	sst s4  }
0xd: {  	[smem:$0x3FB1] =	sst s5  }
0xe: {  	[smem:$0x3FB2] =	sst s6  }
0xf: {  	[smem:$0x3FB3] =	sst s7  }
0x10: {  	[smem:$0x3FB4] =	sst s8  }
0x11: {  	[smem:$0x3FB5] =	sst s9;
	s0 =	simm.s32 @!p0 $0x0  }
0x12: {  	s1 =	sld [smem:$0x3F9B];
	s0 =	simm.s32 @p0 $0x1  }
0x13: {  	[smem:$0x3FB6] =	sst s0;
	s0 =	simm.s32 @!p1 $0x0  }
0x14: {  	s2 =	sld [smem:$0x3F9A];
	s0 =	simm.s32 @p1 $0x1  }
0x15: {  	[smem:$0x3FB7] =	sst s0;
	s0 =	simm.s32 @!p2 $0x0  }
0x16: {  	s3 =	sld [smem:$0x3FDB];
	s0 =	simm.s32 @p2 $0x1  }
0x17: {  	s4 =	simm.s32 $0x1BF5;
	[smem:$0x3FB9] =	sst s0  }
0x18: {  	s0 =	sld [smem:$0x3F9C];
	_ =	swait.ge [sflag:s4], $0x0  }
0x19: {  	s7 =	sld [smem:$0x3F9D]  }
0x1a: {  	s8 =	sadd.s32 $0xFFFFE003, lr  }
0x1b: {  	s9 =	sadd.s32 $0xFFFFFEF7, lr;
	s5 =	simm.s32 $0xFFFFFFFF;
	p2 =	slt.u32 s8, $0xFFFFF086  }
0x1c: {  	p1 =	slt.u32 s9, $0xF7A;
	s5 =	simm.s32 @!p2 $0x0  }
0x1d: {  	s5 =	simm.s32 @p1 $0x1;
	p0 =	seq.s32 s7, s2  }
0x1e: {  	s7 =	smul.u32 @!p0 $0xF7A, s2;
	p2 =	seq.s32 @!p0 s5, $0x0  }
0x1f: {  	s9 =	smul.u32 $0xF7A, s1;
	s8 =	simm.s32 @!p0 $0x1BF5;
	p2 =	por !p2, p0  }
0x20: {  	[sflag:s8] =	ssyncset.s32 @!p0 $0xFFFFF086;
	s6 =	sadd.s32 @!p0 s3, s7;
	s7 =	simm.s32 @!p0 $0x108  }
0x21: {  	s3 =	sadd.s32 s3, s9;
	s6 =	sadd.s32 @!p0 $0x88, s6;
	s7 =	simm.s32 @p2 $0x1082  }
0x22: {  	[simem:s7], [sflag:s8] =	dma.local @!p0 [hbm:s6], $0xF7A  }
0x23: {  	s9 =	sor.u32 $0xD0000000, s2;
	s6 =	simm.s32 $0x108;
	_ =	swait.ge @!p0 [sflag:s8], $0x0  }
0x24: {  	s3 =	sadd.s32 $0x88, s3;
	s6 =	simm.s32 @!p1 $0x1082;
	[sflag:s4] =	ssyncset.s32 $0xFFFFF086  }
0x25: {  	[simem:s6], [sflag:s4] =	dma.local [hbm:s3], $0xF7A  }
0x26: {  	[smem:$0x3F9D] =	sst s1;
	(tag) =	ssettag s2;
	_ =	strace s9  }
0x27: {  	s1 =	sld [smem:$0x3FAD]  }
0x28: {  	s2 =	sld [smem:$0x3FAE]  }
0x29: {  	s4 =	sld [smem:$0x3FB0]  }
0x2a: {  	p0 =	seq.s32 s5, $0x0;
	s5 =	sld [smem:$0x3FB1]  }
0x2b: {  	s6 =	sld [smem:$0x3FB2]  }
0x2c: {  	s7 =	sld [smem:$0x3FB3]  }
0x2d: {  	s3 =	simm.s32 $0x108;
	s8 =	sld [smem:$0x3FB4]  }
0x2e: {  	s3 =	simm.s32 @!p0 $0x1082;
	s9 =	sld [smem:$0x3FB5]  }
0x2f: {  	lr =	sadd.s32 s0, s3;
	s0 =	sld [smem:$0x3FAC]  }
0x30: {  	s3 =	sld [smem:$0x3FAF]  }
0x31: {  	[smem:$0x3FB8] =	sst s10  }
0x32: {  	s10 =	sld [smem:$0x3FB6];
	_ =	sdelay $0x3  }
0x33: {  	p0 =	seq.s32 s10, $0x1;
	s10 =	sld [smem:$0x3FB8];
	_ =	sdelay $0x3  }
0x34: {  	[smem:$0x3FB8] =	sst s10  }
0x35: {  	s10 =	sld [smem:$0x3FB7];
	_ =	sdelay $0x3  }
0x36: {  	p1 =	seq.s32 s10, $0x1;
	s10 =	sld [smem:$0x3FB8];
	_ =	sdelay $0x3  }
0x37: {  	[smem:$0x3FB8] =	sst s10  }
0x38: {  	s10 =	sld [smem:$0x3FB9]  }
0x39: {  	_ = 	snop;
	(pc) =	sbr.ind lr, $3  }
0x3a: {  	_ = 	snop  }
0x3b: {  	_ = 	snop  }
0x3c: {  	p2 =	seq.s32 s10, $0x1;
	s10 =	sld [smem:$0x3FB8]  }
0x3d: {  	_ =	shalt  }
0x3e: {  	_ =	shalt  }
0x3f: {  	_ =	shalt  }
0x40: {  	_ =	shalt  }
0x41: {  	_ =	shalt  }
0x42: {  	_ =	shalt  }
0x43: {  	_ =	shalt  }
0x44: {  	_ =	shalt  }
0x45: {  	_ =	shalt  }
0x46: {  	_ =	shalt  }
0x47: {  	_ =	shalt  }
0x48: {  	_ =	shalt  }
0x49: {  	_ =	shalt  }
0x4a: {  	_ =	shalt  }
0x4b: {  	_ =	shalt  }
0x4c: {  	_ =	shalt  }
0x4d: {  	_ =	shalt  }
0x4e: {  	_ =	shalt  }
0x4f: {  	_ =	shalt  }
0x50: {  	_ =	shalt  }
0x51: {  	_ =	shalt  }
0x52: {  	_ =	shalt  }
0x53: {  	_ =	shalt  }
0x54: {  	_ =	shalt  }
0x55: {  	_ =	shalt  }
0x56: {  	_ =	shalt  }
0x57: {  	_ =	shalt  }
0x58: {  	_ =	shalt  }
0x59: {  	_ =	shalt  }
0x5a: {  	_ =	shalt  }
0x5b: {  	_ =	shalt  }
0x5c: {  	_ =	shalt  }
0x5d: {  	_ =	shalt  }
0x5e: {  	_ =	shalt  }
0x5f: {  	_ =	shalt  }
0x60: {  	_ =	shalt  }
0x61: {  	_ =	shalt  }
0x62: {  	_ =	shalt  }
0x63: {  	_ =	shalt  }
0x64: {  	_ =	shalt  }
0x65: {  	_ =	shalt  }
0x66: {  	_ =	shalt  }
0x67: {  	_ =	shalt  }
0x68: {  	_ =	shalt  }
0x69: {  	_ =	shalt  }
0x6a: {  	_ =	shalt  }
0x6b: {  	_ =	shalt  }
0x6c: {  	_ =	shalt  }
0x6d: {  	_ =	shalt  }
0x6e: {  	_ =	shalt  }
0x6f: {  	_ =	shalt  }
0x70: {  	_ =	shalt  }
0x71: {  	_ =	shalt  }
0x72: {  	_ =	shalt  }
0x73: {  	_ =	shalt  }
0x74: {  	_ =	shalt  }
0x75: {  	_ =	shalt  }
0x76: {  	_ =	shalt  }
0x77: {  	_ =	shalt  }
0x78: {  	_ =	shalt  }
0x79: {  	_ =	shalt  }
0x7a: {  	_ =	shalt  }
0x7b: {  	_ =	shalt  }
0x7c: {  	_ =	shalt  }
0x7d: {  	_ =	shalt  }
0x7e: {  	_ =	shalt  }
0x7f: {  	_ =	shalt  }
0x80: {  	_ =	shalt  }
0x81: {  	_ =	shalt  }
0x82: {  	_ =	shalt  }
0x83: {  	_ =	shalt  }
0x84: {  	_ =	shalt  }
0x85: {  	_ =	shalt  }
0x86: {  	_ =	shalt  }
0x87: {  	_ =	shalt  }
.Lfunc_end0:
.L_simem_size_0:
called_computation_lowered:
.L_overlay_start_0:
0x88: {  	s2 =	sld [smem:$0x3FD9]  }
0x89: {  	s3 =	sld [smem:$0x3FFE];
	_ =	sdelay $0x1  }
0x8a: {  	s1 =	srdreg.scid  }
0x8b: {  	s0 =	sand.u32 $0x1, s1  }
0x8c: {  	s18 =	sshll.u32 s0, $0xA;
	s2 =	sadd.s32 s3, s2  }
0x8d: {  	s2 =	sadd.s32 s2, s18  }
0x8e: {  	[smem:$0x3FC4] =	sst s2  }
0x8f: {  	_ = 	snop  }
0x90: {  	s2 =	sld [smem:$0x3FC8]  }
0x91: {  	s19 =	sld [smem:$0x3FD0];
	(tm) =	ssettm $0x1  }
0x92: {  	s4 =	sld [smem:$0x3FFB];
	_ =	sdelay $0x3  }
0x93: {  	_ =	strace s4  }
0x94: {  	s4 =	sld [smem:$0x3FFC];
	_ =	sdelay $0x3  }
0x95: {  	_ =	strace s4  }
0x96: {  	s4 =	sld [smem:$0x3FFD];
	_ =	sdelay $0x3  }
0x97: {  	_ =	strace s4  }
0x98: {  	_ =	strace $0x8FFFFFFF  }
0x99: {  	s20 =	sld [smem:$0x3FDB];
	_ =	sdelay $0x1  }
0x9a: {  	s5 =	simm.s32 $_scs_section_size  }
0x9b: {  	s6 =	simm.s32 $_size__tile_overlayer_lowered;
	s7 =	simm.s32 $_tile_overlayer_lowered  }
0x9c: {  	s23 =	simm.s32 $0x1BFF;
	s22 =	sshll.u32 s7, $0x1;
	s4 =	sadd.s32 s5, s20  }
0x9d: {  	s8 =	simm.s32 $0x0;
	s21 =	sshll.u32 s6, $0x1;
	s6 =	sadd.s32 s22, s4  }
0x9e: {  	[timem:s8], [sflag:s23] =	dma.local [hbm:s6], s21  }
0x9f: {  	_ =	swait.ge [sflag:s23], s21  }
0xa0: {  	s5 =	ssub.s32 $0x0, s21;
	[sflag:s23] =	ssyncset.done $0x0  }
0xa1: {  	[sflag:s23] =	ssyncadd.s32 s5;
	_ =	sdelay $0x1  }
0xa2: {  	s24 =	simm.s32 $0x1B8B  }
0xa3: {  	_ =	swait.ge [sflag:s24], $0x1  }
0xa4: {  	[sflag:s24] =	ssyncset.done $0x0  }
0xa5: {  	s25 =	simm.s32 $0x1B8E;
	[sflag:s24] =	ssyncadd.s32 $0xFFFFFFFF  }
0xa6: {  	s26 =	simm.s32 $execute0_lowered;
	[smem:$0x3FD2] =	sst s25  }
0xa7: {  	s5 =	sshll.u32 s26, $0x1;
	_ =	strace $0x80000046;
	[dreg:$0x1] =	wrdreg $0xFFFFFFFF  }
0xa8: {  	s28 =	simm.s32 $_size_execute0_lowered;
	s4 =	sadd.s32 s4, s5;
	[dreg:$0x0] =	wrdreg $0x0  }
0xa9: {  	s5 =	sshll.u32 s28, $0x1;
	[dreg:$0x2] =	wrdreg s4  }
0xaa: {  	[dreg:$0x3] =	wrdreg s5  }
0xab: {  	[dreg:$0x4] =	wrdreg $0xC0  }
0xac: {  	_ =	task [dreg:s8], $0x5FFFF  }
0xad: {  	[dreg:$0x1] =	wrdreg $0xFFFFFFFF  }
0xae: {  	[dreg:$0x0] =	wrdreg $0x60  }
0xaf: {  	[dreg:$0x2] =	wrdreg s2  }
0xb0: {  	[dreg:$0x3] =	wrdreg s19  }
0xb1: {  	[dreg:$0x4] =	wrdreg $0x9  }
0xb2: {  	_ =	task.clear_ibuf [dreg:s8], $0x5FFFF;
	_ =	strace $0x90000046  }
0xb3: {  	s29 =	simm.s32 $0x9;
	_ =	strace $0x80000048  }
0xb4: {  	_ =	swait.ge [sflag:s29], $0x1  }
0xb5: {  	[sflag:s29] =	ssyncadd.s32 $0xFFFFFFFF  }
0xb6: {  	_ =	strace $0x90000048  }
0xb7: {  	_ =	sfence  }
0xb8: {  	s30 =	sld [smem:$0x0];
	_ =	sdelay $0x2  }
0xb9: {  	s31 =	sshll.u32 s1, $0xD;
	s1 =	sshrl.u32 s1, $0x2  }
0xba: {  	s3 =	sand.u32 $0x4000, s31;
	s1 =	sadd.s32 s1, s30  }
0xbb: {  	s0 =	sor.u32 s3, s0;
	s1 =	sshll.u32 s1, $0x11  }
0xbc: {  	s0 =	sor.u32 s1, s0  }
0xbd: {  	s0 =	sadd.s32 $0x8F2B, s0  }
0xbe: {  	[sflag:s0] =	ssyncadd.remote.s32 $0x1  }
0xbf: {  	_ =	sfence.sel $0xFFFF  }
0xc0: {  	[dreg:$0x0] =	wrdreg $0xFFFFFFFF;
	(pc) =	sbr.abs _section_cstart, $3  }
0xc1: {  	[dreg:$0x1] =	wrdreg $0xFFFFFFFF  }
0xc2: {  	_ =	task.clear_ibuf [dreg:s8], $0x2FFFF;
	_ =	strace $0x9FFFFFFF  }
0xc3: {  	(tm) =	ssettm $0x7FFFFFFF  }
tec
execute0_lowered:
.L_overlay_start_1:
0x0: {  	(tag) =	ssettag $0x1  }
0x1: {  	s0 =	srdreg.scid  }
0x2: {  	s5 =	sand.u32 $0x1, s0;
	s0 =	stileid.u32  }
0x3: {  	s3 =	sor.u32 s0, s5  }
0x4: {  	p0 =	sne.s32 s3, $0x0  }
.Ltmp0:
0x5: {  	_ = 	snop;
	(pc) =	sbr.rel @p0 .LBB2_4-.Ltmp0, $4  }
0x6: {  	_ = 	snop  }
0x7: {  	s6 =	rddreg [dreg:$0x0]  }
0x8: {  	s2 =	rddreg [dreg:$0x1]  }
0x9: {  	s1 =	rddreg [dreg:$0x2];
	_ =	strace $0x80000047  }
0xa: {  	s4 =	simm.s32 $0x0;
	s3 =	simm.s32 $0x1;
	s5 =	ssub.s32 $0x2, s5  }
0xb: {  	[tilespmem:s4], [sflag:$0x1] =	stream.linear.gather [hbm4b:s6+s4], $0x80, $0x38;
	[tilespmem:$0x100] =	vst v63  }
0xc: {  	s7 =	sshrl.u32 s5, $0x1;
	_ =	swait.ge [sflag:s3], $0x80  }
0xd: {  	s7 =	ssub.s32 s5, s7;
	[sflag:s3] =	ssyncset.done $0x0  }
0xe: {  	p0 =	sne.s32 s7, $0x1;
	[sflag:s3] =	ssyncadd.s32 $0xFFFFFF80  }
.Ltmp1:
0xf: {  	v3 =	vld [tilespmem:$0x60];
	(pc) =	sbr.rel @!p0 .LBB2_3-.Ltmp1, $4  }
0x10: {  	v4 =	vld [tilespmem:$0x20]  }
0x11: {  	v0 =	vld [tilespmem:$0x70]  }
0x12: {  	v1 =	vld [tilespmem:$0x0]  }
0x13: {  	s5 =	simm.s32 $0x80;
	s7 =	sadd.s32 $0xFFFFFFFF, s7;
	v2 =	vld [tilespmem:$0x10]  }
.LBB2_2:
0x14: {  	p0 =	sne.s32 s7, $0x1;
	s7 =	sadd.s32 $0xFFFFFFFF, s7;
	v5 =	vld [tilespmem:$0x30]  }
0x15: {  	vm1 =	vgt.s32 v3, $0x0;
	vm0 =	vgt.s32 v4, $0x0;
	v6 =	vld [tilespmem:$0x50]  }
0x16: {  	v3 =	vnsel vm1, $0x0, v3;
	v4 =	vnsel vm0, $0x0, v4;
	v7 =	vld [tilespmem:$0x40];
	vm0 =	vgt.s32 v0, $0x0  }
0x17: {  	v3 =	vmin.u32 v3, $0x1869F;
	vm1 =	vgt.s32 v1, $0x0;
	v4 =	vmin.u32 v4, $0x1869F  }
0x18: {  	v3 =	vand.u32 $0xF, v3;
	vm2 =	vgt.s32 v2, $0x0;
	v4 =	vand.u32 $0xF, v4  }
0x19: {  	v0 =	vnsel vm0, $0x0, v0;
	v1 =	vnsel vm1, $0x0, v1;
	v2 =	vnsel vm2, $0x0, v2;
	[tilespmem:$0xE0] =	vst v3  }
0x1a: {  	v0 =	vmin.u32 v0, $0x1869F;
	v1 =	vmin.u32 v1, $0x1869F;
	v2 =	vmin.u32 v2, $0x1869F;
	[tilespmem:$0xA0] =	vst v4  }
0x1b: {  	v0 =	vand.u32 $0xF, v0;
	vm0 =	vgt.s32 v6, $0x0;
	v2 =	vand.u32 $0xF, v2  }
0x1c: {  	vm1 =	vgt.s32 v5, $0x0;
	vm2 =	vgt.s32 v7, $0x0;
	[tilespmem:$0x90] =	vst v2;
	v2 =	vnsel vm0, $0x0, v6  }
0x1d: {  	v1 =	vand.u32 $0xF, v1;
	v3 =	vnsel vm1, $0x0, v5;
	v2 =	vmin.u32 v2, $0x1869F;
	[tilespmem:$0xF0] =	vst v0  }
0x1e: {  	v0 =	vmin.u32 v3, $0x1869F;
	[tilespmem:$0x80] =	vst v1;
	v1 =	vnsel vm2, $0x0, v7;
	v2 =	vand.u32 $0xF, v2  }
0x1f: {  	v0 =	vand.u32 $0xF, v0;
	v1 =	vmin.u32 v1, $0x1869F;
	[tilespmem:$0xD0] =	vst v2  }
0x20: {  	[tilespmem:$0xB0] =	vst v0;
	v0 =	vand.u32 $0xF, v1  }
0x21: {  	[tilespmem:$0xC0] =	vst v0  }
0x22: {  	[hbm4b:s2+s4] =	stream.linear.scatter [tilespmem:s5], [sflag:$0x1], $0x80, $0x38;
	[tilespmem:$0x100] =	vst v63  }
0x23: {  	_ =	swait.ge [sflag:s3], $0x80  }
0x24: {  	[sflag:s3] =	ssyncset.done $0x0  }
0x25: {  	[sflag:s3] =	ssyncadd.s32 $0xFFFFFF80  }
0x26: {  	[tilespmem:s4], [sflag:$0x1] =	stream.linear.gather [hbm4b:s6+s4], $0x80, $0x38;
	[tilespmem:$0x100] =	vst v63  }
0x27: {  	_ =	swait.ge [sflag:s3], $0x80  }
0x28: {  	[sflag:s3] =	ssyncset.done $0x0  }
0x29: {  	[sflag:s3] =	ssyncadd.s32 $0xFFFFFF80  }
.Ltmp2:
0x2a: {  	v3 =	vld [tilespmem:$0x60];
	(pc) =	sbr.rel @p0 .LBB2_2-.Ltmp2, $4  }
0x2b: {  	v4 =	vld [tilespmem:$0x20]  }
0x2c: {  	v0 =	vld [tilespmem:$0x70]  }
0x2d: {  	v1 =	vld [tilespmem:$0x0]  }
0x2e: {  	v2 =	vld [tilespmem:$0x10]  }
.LBB2_3:
0x2f: {  	v5 =	vld [tilespmem:$0x30]  }
0x30: {  	vm1 =	vgt.s32 v3, $0x0;
	v6 =	vld [tilespmem:$0x50];
	vm0 =	vgt.s32 v4, $0x0  }
0x31: {  	v7 =	vld [tilespmem:$0x40];
	v3 =	vnsel vm1, $0x0, v3;
	v4 =	vnsel vm0, $0x0, v4;
	vm11 =	vgt.s32 v0, $0x0  }
0x32: {  	v3 =	vmin.u32 v3, $0x1869F;
	vm12 =	vgt.s32 v1, $0x0;
	v4 =	vmin.u32 v4, $0x1869F  }
0x33: {  	v3 =	vand.u32 $0xF, v3;
	v0 =	vnsel vm11, $0x0, v0;
	vm2 =	vgt.s32 v2, $0x0  }
0x34: {  	v4 =	vand.u32 $0xF, v4;
	v1 =	vnsel vm12, $0x0, v1;
	v0 =	vmin.u32 v0, $0x1869F  }
0x35: {  	[tilespmem:$0xE0] =	vst v3;
	v2 =	vnsel vm2, $0x0, v2;
	v1 =	vmin.u32 v1, $0x1869F;
	vm13 =	vgt.s32 v6, $0x0  }
0x36: {  	[tilespmem:$0xA0] =	vst v4;
	v0 =	vand.u32 $0xF, v0;
	vm14 =	vgt.s32 v5, $0x0;
	vm15 =	vgt.s32 v7, $0x0  }
0x37: {  	v2 =	vmin.u32 v2, $0x1869F;
	v1 =	vand.u32 $0xF, v1;
	v60 =	vnsel vm14, $0x0, v5;
	[tilespmem:$0xF0] =	vst v0  }
0x38: {  	v62 =	vnsel vm15, $0x0, v7;
	v2 =	vand.u32 $0xF, v2;
	[tilespmem:$0x80] =	vst v1;
	v61 =	vmin.u32 v60, $0x1869F  }
0x39: {  	v59 =	vnsel vm13, $0x0, v6;
	v1 =	vmin.u32 v62, $0x1869F;
	[tilespmem:$0x90] =	vst v2;
	v0 =	vand.u32 $0xF, v61  }
0x3a: {  	v2 =	vmin.u32 v59, $0x1869F;
	v63 =	vand.u32 $0xF, v1;
	[tilespmem:$0xB0] =	vst v0  }
0x3b: {  	v2 =	vand.u32 $0xF, v2;
	[tilespmem:$0xC0] =	vst v63  }
0x3c: {  	[tilespmem:$0xD0] =	vst v2  }
0x3d: {  	[hbm4b:s2+s4] =	stream.linear.scatter [tilespmem:s5], [sflag:$0x1], $0x80, $0x38;
	[tilespmem:$0x100] =	vst v63  }
0x3e: {  	_ =	swait.ge [sflag:s3], $0x80  }
0x3f: {  	[sflag:s3] =	ssyncset.done $0x0  }
0x40: {  	[sflag:s3] =	ssyncadd.s32 $0xFFFFFF80  }
.LBB2_4:
0x41: {  	_ =	sfence.sel $0x180000  }
0x42: {  	[bflag:$0x0] =	sbarrier.arrive $0xFFFF  }
0x43: {  	p0 =	sne.s32 s0, $0x0;
	_ =	strace $0x90000047  }
0x44: {  	s0 =	sadd.s32 @!p0 $0x100000, s1;
	[bflag:$0x2] =	sbarrier.arrive $0xFFFF  }
0x45: {  	[sflag:s0] =	ssyncadd.tile.s32 @!p0 $0x1;
	_ =	shalt  }
.Lfunc_end2:
_tile_overlayer_lowered:
.L_overlay_start_2:
0x46: {  	(tag) =	ssettag $0x2  }
0x47: {  	s0 =	rddreg [dreg:$0x0];
	s2 =	stileid.u32  }
0x48: {  	s1 =	rddreg [dreg:$0x1];
	p0 =	sne.s32 s2, $0x0  }
0x49: {  	s3 =	rddreg [dreg:$0x2];
	[bflag:$0x3] =	sbarrier.arrive $0xFFFF;
	s2 =	simm.s32 @!p0 $0x1C01  }
0x4a: {  	[timem:s3], [sflag:s2] =	dma.local @!p0 [hbm:s0], s1  }
0x4b: {  	s0 =	simm.s32 @!p0 $0x1  }
0x4c: {  	_ =	swait.ge @!p0 [sflag:s0], s1  }
0x4d: {  	s1 =	ssub.s32 @!p0 $0x0, s1;
	[sflag:s0] =	ssyncset.done @!p0 $0x0  }
0x4e: {  	[sflag:s0] =	ssyncadd.s32 @!p0 s1  }
0x4f: {  	[bflag:$0x3] =	sbarrier.arrive $0xFFFF  }
0x50: {  	_ =	shalt  }

</sc_bundles>
